<compile_context>
chip_gen: v7x
topology: tpu7x:2x2x1
jax: 0.10.2.dev20260603
libtpu: 0.0.44.dev20260713+nightly
codegen_flags: <defaults>
</compile_context>

<pallas_src>
import jax
import jax.numpy as jnp
import numpy as np
from jax import lax
from jax.experimental import pallas as pl
from jax.experimental.pallas import tpu as pltpu
from jax.experimental.pallas import tpu_sc as plsc

VOCAB = 1000000
EMBED_DIM = 64
RANK = 16
BATCH = 16384
SEQ = 50
NSLICE = 2
SEQ_SL = SEQ // NSLICE
TOK_SL = BATCH * SEQ_SL


_VBLK = 8192


def _fuse_body(tableT_ref, a_ref, w_ref, out_ref):
    m = jnp.concatenate([tableT_ref[...], a_ref[...]], axis=0)
    fused = lax.dot_general(
        m, w_ref[...],
        dimension_numbers=(((0,), (0,)), ((), ())),
        preferred_element_type=jnp.float32,
    )
    out_ref[...] = jnp.concatenate([fused, fused], axis=1)


def _fused_table(tableT, lora_A, w):
    grid = (VOCAB + _VBLK - 1) // _VBLK
    return pl.pallas_call(
        _fuse_body,
        grid=(grid,),
        in_specs=[
            pl.BlockSpec((EMBED_DIM, _VBLK), lambda i: (0, i)),
            pl.BlockSpec((RANK, _VBLK), lambda i: (0, i)),
            pl.BlockSpec((EMBED_DIM + RANK, EMBED_DIM), lambda i: (0, 0)),
        ],
        out_specs=pl.BlockSpec((_VBLK, 2 * EMBED_DIM), lambda i: (i, 0)),
        out_shape=jax.ShapeDtypeStruct((VOCAB, 2 * EMBED_DIM), jnp.float32),
    )(tableT, lora_A, w)



_NW = 32
_CHUNK = 512
_C_PER_W = TOK_SL // (_NW * _CHUNK)


def _gather_body(fused_hbm, idx_hbm, out_hbm, idx_v, rows_v, sem):
    nc = 2
    wid = lax.axis_index("s") * nc + lax.axis_index("c")
    c0 = wid * _C_PER_W

    def chunk(j, carry):
        start = pl.multiple_of((c0 + j) * _CHUNK, 8)
        pltpu.sync_copy(idx_hbm.at[pl.ds(start, _CHUNK)], idx_v)
        pltpu.async_copy(fused_hbm.at[idx_v], rows_v, sem).wait()
        pltpu.sync_copy(rows_v, out_hbm.at[pl.ds(start, _CHUNK)])
        return carry

    lax.fori_loop(0, _C_PER_W, chunk, 0)


def _sc_gather(fused, idx_slice):
    mesh = plsc.VectorSubcoreMesh(core_axis_name="c", subcore_axis_name="s")
    k = pl.kernel(
        _gather_body,
        out_type=jax.ShapeDtypeStruct((TOK_SL, 2 * EMBED_DIM), jnp.float32),
        mesh=mesh,
        scratch_types=[
            pltpu.VMEM((_CHUNK,), jnp.int32),
            pltpu.VMEM((_CHUNK, 2 * EMBED_DIM), jnp.float32),
            pltpu.SemaphoreType.DMA,
        ],
    )
    return k(fused, idx_slice)



_BBLK = 4096


def _detile_body(prev_ref, rows_ref, e_ref, out_ref):
    del prev_ref
    v = rows_ref[0]
    out_ref[0] = lax.dot_general(
        e_ref[...], v,
        dimension_numbers=(((0,), (1,)), ((), ())),
        preferred_element_type=jnp.float32,
    )


def _detile_body0(rows_ref, e_ref, out_ref):
    _detile_body(None, rows_ref, e_ref, out_ref)


def _detile_slice(prev, rows3, e, s):
    l0 = s * SEQ_SL
    data_specs = [
        pl.BlockSpec((1, _BBLK, 2 * EMBED_DIM), lambda l, b: (l, b, 0)),
        pl.BlockSpec((2 * EMBED_DIM, EMBED_DIM), lambda l, b: (0, 0)),
    ]
    out_spec = pl.BlockSpec((1, EMBED_DIM, _BBLK), lambda l, b: (l0 + l, 0, b))
    out_shape = jax.ShapeDtypeStruct((SEQ, EMBED_DIM, BATCH), jnp.float32)
    grid = (SEQ_SL, BATCH // _BBLK)
    if prev is None:
        return pl.pallas_call(
            _detile_body0, grid=grid, in_specs=data_specs,
            out_specs=out_spec, out_shape=out_shape,
        )(rows3, e)
    return pl.pallas_call(
        _detile_body, grid=grid,
        in_specs=[pl.BlockSpec(memory_space=pltpu.MemorySpace.HBM)] + data_specs,
        out_specs=out_spec, out_shape=out_shape,
        input_output_aliases={0: 0},
    )(prev, rows3, e)


def kernel(x, table, lora_embedding_A, lora_embedding_B):
    idx = x.astype(jnp.int32).T.reshape(-1)
    w = jnp.concatenate(
        [jnp.eye(EMBED_DIM, dtype=jnp.float32), lora_embedding_B.T], axis=0
    )
    e = jnp.concatenate(
        [jnp.eye(EMBED_DIM, dtype=jnp.float32),
         jnp.zeros((EMBED_DIM, EMBED_DIM), dtype=jnp.float32)], axis=0
    )
    fused = _fused_table(table.T, lora_embedding_A, w)
    out_t = None
    for s in range(NSLICE):
        rows = _sc_gather(fused, lax.slice(idx, (s * TOK_SL,), ((s + 1) * TOK_SL,)))
        out_t = _detile_slice(out_t, rows.reshape(SEQ_SL, BATCH, 2 * EMBED_DIM), e, s)
    return jnp.transpose(out_t, (2, 0, 1))

# --- scband reference (transcript-rebuilt; emitter-appended) ---
"""Pipeline reference for scband-embedding-64493228917398 (READ-ONLY COPY).

The authoritative reference and input builder live on the scoring server;
editing this copy changes nothing except your own understanding.
"""

import jax, jax.numpy as jnp
import numpy as np

VOCAB = 1000000
EMBED_DIM = 64
R = 16
LORA_ALPHA = 16
SCALING = LORA_ALPHA / R  # use_rslora=False -> alpha / r = 1.0


def setup_inputs(seed: int = 0) -> dict:
    key = jax.random.key(seed)
    k1, k2, k3, k4 = jax.random.split(key, 4)
    # forward arg: token indices
    x = jax.random.randint(k1, (16384, 50), 0, VOCAB)
    # learned params
    # base embedding table (nn.Embedding(VOCAB, EMBED_DIM).weight)
    table = jax.random.normal(k2, (VOCAB, EMBED_DIM), dtype=jnp.float32) * 0.02
    # PEFT stores lora_embedding_A as (r, num_embeddings) and lora_embedding_B as (embedding_dim, r)
    lora_embedding_A = jax.random.normal(k3, (R, VOCAB), dtype=jnp.float32)
    lora_embedding_B = jax.random.normal(k4, (EMBED_DIM, R), dtype=jnp.float32)
    return {"x": x, "table": table, "lora_embedding_A": lora_embedding_A, "lora_embedding_B": lora_embedding_B}


def reference(x, table, lora_embedding_A, lora_embedding_B):
    # base path: result = self.base_layer(x)
    base = jnp.take(table, x, axis=0)  # [B, L, EMBED_DIM]
    # lora path: after_A = F.embedding(dropout(x), lora_embedding_A.T); dropout is Identity (p=0.0)
    embedding_A = lora_embedding_A.T  # (VOCAB, R)
    embedding_B = lora_embedding_B.T  # (R, EMBED_DIM)
    after_A = jnp.take(embedding_A, x, axis=0)  # [B, L, R]
    result = base + (after_A @ embedding_B) * SCALING
    return result

if __name__ == "__main__":
    import jax
    _d = setup_inputs()
    print(jax.jit(kernel)(*tuple(_d.values())))

</pallas_src>

<mosaic_0001>
#map = affine_map<(d0, d1) -> (0, 0)>
#map1 = affine_map<(d0, d1) -> (0)>
module attributes {stable_mosaic.version = 14 : i64} {
  func.func @_gather_body(%arg0: i32, %arg1: i32, %arg2: memref<1000000x128xf32, #tpu.memory_space<hbm>>, %arg3: memref<409600xi32, #tpu.memory_space<hbm>>, %arg4: memref<409600x128xf32, #tpu.memory_space<hbm>>, %arg5: memref<512xi32, #tpu.memory_space<vmem>>, %arg6: memref<512x128xf32, #tpu.memory_space<vmem>>, %arg7: memref<!tpu.dma_semaphore, #tpu.memory_space<semaphore_mem>>) attributes {dimension_semantics = [#tpu.dimension_semantics<core_parallel>, #tpu.dimension_semantics<subcore_parallel>], iteration_bounds = array<i64: 2, 16>, scalar_prefetch = 0 : i64, scratch_operands = 3 : i64, tpu.core_type = #tpu.core_type<sc_vector_subcore>, window_params = [{transform_indices = #map}, {transform_indices = #map1}, {transform_indices = #map}]} {
    %mul3A = arith.constant 2 : i32
    %mul3A_0 = arith.muli %arg1, %mul3A : i32
    %add3A = arith.addi %mul3A_0, %arg0 : i32
    %mul3A_1 = arith.constant 25 : i32
    %mul3A_2 = arith.muli %add3A, %mul3A_1 : i32
    %scan3A = arith.constant 0 : i32
    %scan3A_3 = arith.constant 0 : i32
    %scan3A_4 = arith.constant 25 : i32
    %scan3A_5 = arith.addi %scan3A_3, %scan3A_4 : i32
    %scan3A_6 = arith.constant 1 : i32
    scf.for %scan3A_8 = %scan3A_3 to %scan3A_5 step %scan3A_6  : i32 {
      %add3A_9 = arith.addi %mul3A_2, %scan3A_8 : i32
      %mul3A_10 = arith.constant 512 : i32
      %mul3A_11 = arith.muli %add3A_9, %mul3A_10 : i32
      %multiple_of3A = tpu.assume_multiple %mul3A_11, 8 : i32
      "tpu.region"() ({
        %run_scoped3A = tpu.sem_alloc : memref<!tpu.dma_semaphore, #tpu.memory_space<semaphore_mem>>
        %dma_start3A_16 = tpu.memref_slice %arg3[%multiple_of3A] : memref<409600xi32, #tpu.memory_space<hbm>> -> memref<512xi32, #tpu.memory_space<hbm>>
        %dma_start3A_17 = tpu.memref_slice %arg3[%multiple_of3A] : memref<409600xi32, #tpu.memory_space<hbm>> -> memref<512xi32, #tpu.memory_space<hbm>>
        tpu.enqueue_dma source(%dma_start3A_17 : memref<512xi32, #tpu.memory_space<hbm>>) target(%arg5 : memref<512xi32, #tpu.memory_space<vmem>>) target_semaphore(%run_scoped3A : memref<!tpu.dma_semaphore, #tpu.memory_space<semaphore_mem>>)
        %dma_wait3A_18 = tpu.memref_slice %arg3[%multiple_of3A] : memref<409600xi32, #tpu.memory_space<hbm>> -> memref<512xi32, #tpu.memory_space<hbm>>
        %dma_wait3A_19 = tpu.memref_slice %arg3[%multiple_of3A] : memref<409600xi32, #tpu.memory_space<hbm>> -> memref<512xi32, #tpu.memory_space<hbm>>
        tpu.wait_dma2 semaphore(%run_scoped3A : memref<!tpu.dma_semaphore, #tpu.memory_space<semaphore_mem>>) src(%dma_wait3A_19 : memref<512xi32, #tpu.memory_space<hbm>>) dst(%arg5 : memref<512xi32, #tpu.memory_space<vmem>>)
        tpu.yield
      }) : () -> ()
      %dma_start3A = arith.constant 0 : i32
      %dma_start3A_12 = arith.constant 0 : i32
      %dma_start3A_13 = tpu.memref_slice %arg2[%dma_start3A, %dma_start3A_12] : memref<1000000x128xf32, #tpu.memory_space<hbm>> -> memref<1000000x128xf32, #tpu.memory_space<hbm>>
      tpu.enqueue_indirect_dma source(%dma_start3A_13 : memref<1000000x128xf32, #tpu.memory_space<hbm>>) target(%arg6 : memref<512x128xf32, #tpu.memory_space<vmem>>) offsets(%arg5 : memref<512xi32, #tpu.memory_space<vmem>>) semaphore(%arg7 : memref<!tpu.dma_semaphore, #tpu.memory_space<semaphore_mem>>)
      %dma_wait3A = arith.constant 0 : i32
      %dma_wait3A_14 = arith.constant 0 : i32
      %dma_wait3A_15 = tpu.memref_slice %arg2[%dma_wait3A, %dma_wait3A_14] : memref<1000000x128xf32, #tpu.memory_space<hbm>> -> memref<1000000x128xf32, #tpu.memory_space<hbm>>
      tpu.wait_indirect_dma semaphore(%arg7 : memref<!tpu.dma_semaphore, #tpu.memory_space<semaphore_mem>>) src(%dma_wait3A_15 : memref<1000000x128xf32, #tpu.memory_space<hbm>>) dst(%arg6 : memref<512x128xf32, #tpu.memory_space<vmem>>)
      "tpu.region"() ({
        %run_scoped3A = tpu.sem_alloc : memref<!tpu.dma_semaphore, #tpu.memory_space<semaphore_mem>>
        %dma_start3A_16 = arith.constant 0 : i32
        %dma_start3A_17 = tpu.memref_slice %arg4[%multiple_of3A, %dma_start3A_16] : memref<409600x128xf32, #tpu.memory_space<hbm>> -> memref<512x128xf32, #tpu.memory_space<hbm>>
        %dma_start3A_18 = arith.constant 0 : i32
        %dma_start3A_19 = tpu.memref_slice %arg4[%multiple_of3A, %dma_start3A_18] : memref<409600x128xf32, #tpu.memory_space<hbm>> -> memref<512x128xf32, #tpu.memory_space<hbm>>
        tpu.enqueue_dma source(%arg6 : memref<512x128xf32, #tpu.memory_space<vmem>>) target(%dma_start3A_19 : memref<512x128xf32, #tpu.memory_space<hbm>>) target_semaphore(%run_scoped3A : memref<!tpu.dma_semaphore, #tpu.memory_space<semaphore_mem>>)
        %dma_wait3A_20 = arith.constant 0 : i32
        %dma_wait3A_21 = tpu.memref_slice %arg4[%multiple_of3A, %dma_wait3A_20] : memref<409600x128xf32, #tpu.memory_space<hbm>> -> memref<512x128xf32, #tpu.memory_space<hbm>>
        %dma_wait3A_22 = arith.constant 0 : i32
        %dma_wait3A_23 = tpu.memref_slice %arg4[%multiple_of3A, %dma_wait3A_22] : memref<409600x128xf32, #tpu.memory_space<hbm>> -> memref<512x128xf32, #tpu.memory_space<hbm>>
        tpu.wait_dma2 semaphore(%run_scoped3A : memref<!tpu.dma_semaphore, #tpu.memory_space<semaphore_mem>>) src(%arg6 : memref<512x128xf32, #tpu.memory_space<vmem>>) dst(%dma_wait3A_23 : memref<512x128xf32, #tpu.memory_space<hbm>>)
        tpu.yield
      }) : () -> ()
    }
    %scan3A_7 = arith.constant 25 : i32
    return
  }
}

#map = affine_map<(d0, d1) -> (0, 0)>
#map1 = affine_map<(d0, d1) -> (0)>
module attributes {stable_mosaic.version = 14 : i64} {
  func.func @_gather_body(%arg0: i32, %arg1: i32, %arg2: memref<1000000x128xf32, #tpu.memory_space<hbm>>, %arg3: memref<409600xi32, #tpu.memory_space<hbm>>, %arg4: memref<409600x128xf32, #tpu.memory_space<hbm>>, %arg5: memref<512xi32, #tpu.memory_space<vmem>>, %arg6: memref<512x128xf32, #tpu.memory_space<vmem>>, %arg7: memref<!tpu.dma_semaphore, #tpu.memory_space<semaphore_mem>>) attributes {dimension_semantics = [#tpu.dimension_semantics<core_parallel>, #tpu.dimension_semantics<subcore_parallel>], iteration_bounds = array<i64: 2, 16>, scalar_prefetch = 0 : i64, scratch_operands = 3 : i64, tpu.core_type = #tpu.core_type<sc_vector_subcore>, window_params = [{transform_indices = #map}, {transform_indices = #map1}, {transform_indices = #map}]} {
    %mul3A = arith.constant 2 : i32
    %mul3A_0 = arith.muli %arg1, %mul3A : i32
    %add3A = arith.addi %mul3A_0, %arg0 : i32
    %mul3A_1 = arith.constant 25 : i32
    %mul3A_2 = arith.muli %add3A, %mul3A_1 : i32
    %scan3A = arith.constant 0 : i32
    %scan3A_3 = arith.constant 0 : i32
    %scan3A_4 = arith.constant 25 : i32
    %scan3A_5 = arith.addi %scan3A_3, %scan3A_4 : i32
    %scan3A_6 = arith.constant 1 : i32
    scf.for %scan3A_8 = %scan3A_3 to %scan3A_5 step %scan3A_6  : i32 {
      %add3A_9 = arith.addi %mul3A_2, %scan3A_8 : i32
      %mul3A_10 = arith.constant 512 : i32
      %mul3A_11 = arith.muli %add3A_9, %mul3A_10 : i32
      %multiple_of3A = tpu.assume_multiple %mul3A_11, 8 : i32
      "tpu.region"() ({
        %run_scoped3A = tpu.sem_alloc : memref<!tpu.dma_semaphore, #tpu.memory_space<semaphore_mem>>
        %dma_start3A_16 = tpu.memref_slice %arg3[%multiple_of3A] : memref<409600xi32, #tpu.memory_space<hbm>> -> memref<512xi32, #tpu.memory_space<hbm>>
        %dma_start3A_17 = tpu.memref_slice %arg3[%multiple_of3A] : memref<409600xi32, #tpu.memory_space<hbm>> -> memref<512xi32, #tpu.memory_space<hbm>>
        tpu.enqueue_dma source(%dma_start3A_17 : memref<512xi32, #tpu.memory_space<hbm>>) target(%arg5 : memref<512xi32, #tpu.memory_space<vmem>>) target_semaphore(%run_scoped3A : memref<!tpu.dma_semaphore, #tpu.memory_space<semaphore_mem>>)
        %dma_wait3A_18 = tpu.memref_slice %arg3[%multiple_of3A] : memref<409600xi32, #tpu.memory_space<hbm>> -> memref<512xi32, #tpu.memory_space<hbm>>
        %dma_wait3A_19 = tpu.memref_slice %arg3[%multiple_of3A] : memref<409600xi32, #tpu.memory_space<hbm>> -> memref<512xi32, #tpu.memory_space<hbm>>
        tpu.wait_dma2 semaphore(%run_scoped3A : memref<!tpu.dma_semaphore, #tpu.memory_space<semaphore_mem>>) src(%dma_wait3A_19 : memref<512xi32, #tpu.memory_space<hbm>>) dst(%arg5 : memref<512xi32, #tpu.memory_space<vmem>>)
        tpu.yield
      }) : () -> ()
      %dma_start3A = arith.constant 0 : i32
      %dma_start3A_12 = arith.constant 0 : i32
      %dma_start3A_13 = tpu.memref_slice %arg2[%dma_start3A, %dma_start3A_12] : memref<1000000x128xf32, #tpu.memory_space<hbm>> -> memref<1000000x128xf32, #tpu.memory_space<hbm>>
      tpu.enqueue_indirect_dma source(%dma_start3A_13 : memref<1000000x128xf32, #tpu.memory_space<hbm>>) target(%arg6 : memref<512x128xf32, #tpu.memory_space<vmem>>) offsets(%arg5 : memref<512xi32, #tpu.memory_space<vmem>>) semaphore(%arg7 : memref<!tpu.dma_semaphore, #tpu.memory_space<semaphore_mem>>)
      %dma_wait3A = arith.constant 0 : i32
      %dma_wait3A_14 = arith.constant 0 : i32
      %dma_wait3A_15 = tpu.memref_slice %arg2[%dma_wait3A, %dma_wait3A_14] : memref<1000000x128xf32, #tpu.memory_space<hbm>> -> memref<1000000x128xf32, #tpu.memory_space<hbm>>
      tpu.wait_indirect_dma semaphore(%arg7 : memref<!tpu.dma_semaphore, #tpu.memory_space<semaphore_mem>>) src(%dma_wait3A_15 : memref<1000000x128xf32, #tpu.memory_space<hbm>>) dst(%arg6 : memref<512x128xf32, #tpu.memory_space<vmem>>)
      "tpu.region"() ({
        %run_scoped3A = tpu.sem_alloc : memref<!tpu.dma_semaphore, #tpu.memory_space<semaphore_mem>>
        %dma_start3A_16 = arith.constant 0 : i32
        %dma_start3A_17 = tpu.memref_slice %arg4[%multiple_of3A, %dma_start3A_16] : memref<409600x128xf32, #tpu.memory_space<hbm>> -> memref<512x128xf32, #tpu.memory_space<hbm>>
        %dma_start3A_18 = arith.constant 0 : i32
        %dma_start3A_19 = tpu.memref_slice %arg4[%multiple_of3A, %dma_start3A_18] : memref<409600x128xf32, #tpu.memory_space<hbm>> -> memref<512x128xf32, #tpu.memory_space<hbm>>
        tpu.enqueue_dma source(%arg6 : memref<512x128xf32, #tpu.memory_space<vmem>>) target(%dma_start3A_19 : memref<512x128xf32, #tpu.memory_space<hbm>>) target_semaphore(%run_scoped3A : memref<!tpu.dma_semaphore, #tpu.memory_space<semaphore_mem>>)
        %dma_wait3A_20 = arith.constant 0 : i32
        %dma_wait3A_21 = tpu.memref_slice %arg4[%multiple_of3A, %dma_wait3A_20] : memref<409600x128xf32, #tpu.memory_space<hbm>> -> memref<512x128xf32, #tpu.memory_space<hbm>>
        %dma_wait3A_22 = arith.constant 0 : i32
        %dma_wait3A_23 = tpu.memref_slice %arg4[%multiple_of3A, %dma_wait3A_22] : memref<409600x128xf32, #tpu.memory_space<hbm>> -> memref<512x128xf32, #tpu.memory_space<hbm>>
        tpu.wait_dma2 semaphore(%run_scoped3A : memref<!tpu.dma_semaphore, #tpu.memory_space<semaphore_mem>>) src(%arg6 : memref<512x128xf32, #tpu.memory_space<vmem>>) dst(%dma_wait3A_23 : memref<512x128xf32, #tpu.memory_space<hbm>>)
        tpu.yield
      }) : () -> ()
    }
    %scan3A_7 = arith.constant 25 : i32
    return
  }
}

module attributes {stable_mosaic.version = 14 : i64} {
  func.func @_fuse_body(%arg0: i32, %arg1: memref<64x8192xf32, #tpu.memory_space<vmem>>, %arg2: memref<16x8192xf32, #tpu.memory_space<vmem>>, %arg3: memref<80x64xf32, #tpu.memory_space<vmem>>, %arg4: memref<8192x128xf32, #tpu.memory_space<vmem>>) attributes {dimension_semantics = [#tpu.dimension_semantics<arbitrary>], iteration_bounds = array<i64: 123>, scalar_prefetch = 0 : i64, scratch_operands = 0 : i64, tpu.core_type = #tpu.core_type<tc>, window_params = [{transform_indices = @transform_0, window_bounds = array<i64: 64, 8192>}, {transform_indices = @transform_1, window_bounds = array<i64: 16, 8192>}, {pipeline_mode = #tpu.pipeline_mode<synchronous>, transform_indices = @transform_2, window_bounds = array<i64: 80, 64>}, {transform_indices = @transform_3, window_bounds = array<i64: 8192, 128>}]} {
    %get3A = arith.constant 0 : index
    %get3A_0 = arith.constant 0 : index
    %get3A_1 = vector.load %arg1[%get3A, %get3A_0] : memref<64x8192xf32, #tpu.memory_space<vmem>>, vector<64x8192xf32>
    %get3A_2 = arith.constant 0 : index
    %get3A_3 = arith.constant 0 : index
    %get3A_4 = vector.load %arg2[%get3A_2, %get3A_3] : memref<16x8192xf32, #tpu.memory_space<vmem>>, vector<16x8192xf32>
    %concatenate3A = tpu.concatenate %get3A_1, %get3A_4 in 0 : vector<64x8192xf32>, vector<16x8192xf32> -> vector<80x8192xf32>
    %get3A_5 = arith.constant 0 : index
    %get3A_6 = arith.constant 0 : index
    %get3A_7 = vector.load %arg3[%get3A_5, %get3A_6] : memref<80x64xf32, #tpu.memory_space<vmem>>, vector<80x64xf32>
    %dot_general3A = arith.constant dense<0.000000e+00> : vector<8192x64xf32>
    %dot_general3A_8 = tpu.matmul %concatenate3A, %get3A_7, %dot_general3A {dimension_numbers = #tpu.dot_dimension_numbers<[0], [0], [1], [1], [0, 1, 1, 1], [], []>, transpose_lhs_hint = false} : vector<80x8192xf32>, vector<80x64xf32>, vector<8192x64xf32> -> vector<8192x64xf32>
    %concatenate3A_9 = tpu.concatenate %dot_general3A_8, %dot_general3A_8 in 1 : vector<8192x64xf32>, vector<8192x64xf32> -> vector<8192x128xf32>
    %swap3A = arith.constant 0 : index
    %swap3A_10 = arith.constant 0 : index
    %swap3A_11 = vector.load %arg4[%swap3A, %swap3A_10] : memref<8192x128xf32, #tpu.memory_space<vmem>>, vector<8192x128xf32>
    tpu.vector_store %arg4[%swap3A, %swap3A_10], %concatenate3A_9 {strides = array<i32>} : memref<8192x128xf32, #tpu.memory_space<vmem>>, vector<8192x128xf32>,
    return
  }
  func.func @transform_0(%arg0: i32) -> (i32, i32) {
    %c0_i32 = arith.constant 0 : i32
    %c0_i32_0 = arith.constant 0 : i32
    return %c0_i32, %arg0 : i32, i32
  }
  func.func @transform_1(%arg0: i32) -> (i32, i32) {
    %c0_i32 = arith.constant 0 : i32
    %c0_i32_0 = arith.constant 0 : i32
    return %c0_i32, %arg0 : i32, i32
  }
  func.func @transform_2(%arg0: i32) -> (i32, i32) {
    %c0_i32 = arith.constant 0 : i32
    %c0_i32_0 = arith.constant 0 : i32
    %c0_i32_1 = arith.constant 0 : i32
    return %c0_i32, %c0_i32_0 : i32, i32
  }
  func.func @transform_3(%arg0: i32) -> (i32, i32) {
    %c0_i32 = arith.constant 0 : i32
    %c0_i32_0 = arith.constant 0 : i32
    return %arg0, %c0_i32 : i32, i32
  }
}

module attributes {stable_mosaic.version = 14 : i64} {
  func.func @_detile_body0(%arg0: i32, %arg1: i32, %arg2: memref<1x4096x128xf32, #tpu.memory_space<vmem>>, %arg3: memref<128x64xf32, #tpu.memory_space<vmem>>, %arg4: memref<1x64x4096xf32, #tpu.memory_space<vmem>>) attributes {dimension_semantics = [#tpu.dimension_semantics<arbitrary>, #tpu.dimension_semantics<arbitrary>], iteration_bounds = array<i64: 25, 4>, scalar_prefetch = 0 : i64, scratch_operands = 0 : i64, tpu.core_type = #tpu.core_type<tc>, window_params = [{transform_indices = @transform_0, window_bounds = array<i64: 1, 4096, 128>}, {pipeline_mode = #tpu.pipeline_mode<synchronous>, transform_indices = @transform_1, window_bounds = array<i64: 128, 64>}, {transform_indices = @transform_2, window_bounds = array<i64: 1, 64, 4096>}]} {
    %get3A = arith.constant 0 : index
    %get3A_0 = arith.constant 0 : index
    %get3A_1 = arith.constant 0 : index
    %get3A_2 = vector.load %arg2[%get3A, %get3A_0, %get3A_1] : memref<1x4096x128xf32, #tpu.memory_space<vmem>>, vector<1x4096x128xf32>
    %get3A_3 = vector.shape_cast %get3A_2 : vector<1x4096x128xf32> to vector<4096x128xf32>
    %get3A_4 = arith.constant 0 : index
    %get3A_5 = arith.constant 0 : index
    %get3A_6 = vector.load %arg3[%get3A_4, %get3A_5] : memref<128x64xf32, #tpu.memory_space<vmem>>, vector<128x64xf32>
    %dot_general3A = arith.constant dense<0.000000e+00> : vector<64x4096xf32>
    %dot_general3A_7 = tpu.matmul %get3A_6, %get3A_3, %dot_general3A {dimension_numbers = #tpu.dot_dimension_numbers<[0], [1], [1], [0], [0, 1, 1, 0], [], []>, transpose_lhs_hint = false} : vector<128x64xf32>, vector<4096x128xf32>, vector<64x4096xf32> -> vector<64x4096xf32>
    %swap3A = arith.constant 0 : index
    %swap3A_8 = arith.constant 0 : index
    %swap3A_9 = arith.constant 0 : index
    %swap3A_10 = vector.load %arg4[%swap3A, %swap3A_8, %swap3A_9] : memref<1x64x4096xf32, #tpu.memory_space<vmem>>, vector<1x64x4096xf32>
    %swap3A_11 = vector.shape_cast %swap3A_10 : vector<1x64x4096xf32> to vector<64x4096xf32>
    %swap3A_12 = vector.shape_cast %dot_general3A_7 : vector<64x4096xf32> to vector<1x64x4096xf32>
    tpu.vector_store %arg4[%swap3A, %swap3A_8, %swap3A_9], %swap3A_12 {strides = array<i32>} : memref<1x64x4096xf32, #tpu.memory_space<vmem>>, vector<1x64x4096xf32>,
    return
  }
  func.func @transform_0(%arg0: i32, %arg1: i32) -> (i32, i32, i32) {
    %c0_i32 = arith.constant 0 : i32
    %c0_i32_0 = arith.constant 0 : i32
    return %arg0, %arg1, %c0_i32 : i32, i32, i32
  }
  func.func @transform_1(%arg0: i32, %arg1: i32) -> (i32, i32) {
    %c0_i32 = arith.constant 0 : i32
    %c0_i32_0 = arith.constant 0 : i32
    %c0_i32_1 = arith.constant 0 : i32
    return %c0_i32, %c0_i32_0 : i32, i32
  }
  func.func @transform_2(%arg0: i32, %arg1: i32) -> (i32, i32, i32) {
    %add3A = arith.constant 0 : i32
    %add3A_0 = arith.addi %add3A, %arg0 : i32
    %c0_i32 = arith.constant 0 : i32
    %c0_i32_1 = arith.constant 0 : i32
    return %add3A_0, %c0_i32, %arg1 : i32, i32, i32
  }
}

module attributes {stable_mosaic.version = 14 : i64} {
  func.func @_detile_body(%arg0: i32, %arg1: i32, %arg2: memref<50x64x16384xf32, #tpu.memory_space<hbm>>, %arg3: memref<1x4096x128xf32, #tpu.memory_space<vmem>>, %arg4: memref<128x64xf32, #tpu.memory_space<vmem>>, %arg5: memref<1x64x4096xf32, #tpu.memory_space<vmem>>) attributes {dimension_semantics = [#tpu.dimension_semantics<arbitrary>, #tpu.dimension_semantics<arbitrary>], iteration_bounds = array<i64: 25, 4>, scalar_prefetch = 0 : i64, scratch_operands = 0 : i64, tpu.core_type = #tpu.core_type<tc>, window_params = [{}, {transform_indices = @transform_1, window_bounds = array<i64: 1, 4096, 128>}, {pipeline_mode = #tpu.pipeline_mode<synchronous>, transform_indices = @transform_2, window_bounds = array<i64: 128, 64>}, {transform_indices = @transform_3, window_bounds = array<i64: 1, 64, 4096>}]} {
    %get3A = arith.constant 0 : index
    %get3A_0 = arith.constant 0 : index
    %get3A_1 = arith.constant 0 : index
    %get3A_2 = vector.load %arg3[%get3A, %get3A_0, %get3A_1] : memref<1x4096x128xf32, #tpu.memory_space<vmem>>, vector<1x4096x128xf32>
    %get3A_3 = vector.shape_cast %get3A_2 : vector<1x4096x128xf32> to vector<4096x128xf32>
    %get3A_4 = arith.constant 0 : index
    %get3A_5 = arith.constant 0 : index
    %get3A_6 = vector.load %arg4[%get3A_4, %get3A_5] : memref<128x64xf32, #tpu.memory_space<vmem>>, vector<128x64xf32>
    %dot_general3A = arith.constant dense<0.000000e+00> : vector<64x4096xf32>
    %dot_general3A_7 = tpu.matmul %get3A_6, %get3A_3, %dot_general3A {dimension_numbers = #tpu.dot_dimension_numbers<[0], [1], [1], [0], [0, 1, 1, 0], [], []>, transpose_lhs_hint = false} : vector<128x64xf32>, vector<4096x128xf32>, vector<64x4096xf32> -> vector<64x4096xf32>
    %swap3A = arith.constant 0 : index
    %swap3A_8 = arith.constant 0 : index
    %swap3A_9 = arith.constant 0 : index
    %swap3A_10 = vector.load %arg5[%swap3A, %swap3A_8, %swap3A_9] : memref<1x64x4096xf32, #tpu.memory_space<vmem>>, vector<1x64x4096xf32>
    %swap3A_11 = vector.shape_cast %swap3A_10 : vector<1x64x4096xf32> to vector<64x4096xf32>
    %swap3A_12 = vector.shape_cast %dot_general3A_7 : vector<64x4096xf32> to vector<1x64x4096xf32>
    tpu.vector_store %arg5[%swap3A, %swap3A_8, %swap3A_9], %swap3A_12 {strides = array<i32>} : memref<1x64x4096xf32, #tpu.memory_space<vmem>>, vector<1x64x4096xf32>,
    return
  }
  func.func @transform_1(%arg0: i32, %arg1: i32) -> (i32, i32, i32) {
    %c0_i32 = arith.constant 0 : i32
    %c0_i32_0 = arith.constant 0 : i32
    return %arg0, %arg1, %c0_i32 : i32, i32, i32
  }
  func.func @transform_2(%arg0: i32, %arg1: i32) -> (i32, i32) {
    %c0_i32 = arith.constant 0 : i32
    %c0_i32_0 = arith.constant 0 : i32
    %c0_i32_1 = arith.constant 0 : i32
    return %c0_i32, %c0_i32_0 : i32, i32
  }
  func.func @transform_3(%arg0: i32, %arg1: i32) -> (i32, i32, i32) {
    %add3A = arith.constant 25 : i32
    %add3A_0 = arith.addi %add3A, %arg0 : i32
    %c0_i32 = arith.constant 0 : i32
    %c0_i32_1 = arith.constant 0 : i32
    return %add3A_0, %c0_i32, %arg1 : i32, i32, i32
  }
}

</mosaic_0001>

<sc_bundles>
// kernel: kernel.10.cloned.1.call-start
scs
__scs_entry_jumppad:
0x0: {  	(pc) =	sbr.rel $0x88, $3  }
0x1: {  	(tag) =	ssettag $0x0;
	lr =	simm.s32 $0x1  }
0x2: {  	[smem:$0x3F9D] =	sst lr;
	_ =	strace $0xD0000000  }
0x3: {  	_ = 	snop  }
0x4: {  	_ = 	snop  }
0x5: {  	_ = 	snop  }
0x6: {  	_ = 	snop  }
0x7: {  	_ = 	snop  }
__scs_overlays_trampoline_lowered:
0x8: {  	[smem:$0x3FAC] =	sst s0  }
0x9: {  	[smem:$0x3FAD] =	sst s1  }
0xa: {  	[smem:$0x3FAE] =	sst s2  }
0xb: {  	[smem:$0x3FAF] =	sst s3  }
0xc: {  	[smem:$0x3FB0] =	sst s4  }
0xd: {  	[smem:$0x3FB1] =	sst s5  }
0xe: {  	[smem:$0x3FB2] =	sst s6  }
0xf: {  	[smem:$0x3FB3] =	sst s7  }
0x10: {  	[smem:$0x3FB4] =	sst s8  }
0x11: {  	[smem:$0x3FB5] =	sst s9;
	s0 =	simm.s32 @!p0 $0x0  }
0x12: {  	s1 =	sld [smem:$0x3F9B];
	s0 =	simm.s32 @p0 $0x1  }
0x13: {  	[smem:$0x3FB6] =	sst s0;
	s0 =	simm.s32 @!p1 $0x0  }
0x14: {  	s2 =	sld [smem:$0x3F9A];
	s0 =	simm.s32 @p1 $0x1  }
0x15: {  	[smem:$0x3FB7] =	sst s0;
	s0 =	simm.s32 @!p2 $0x0  }
0x16: {  	s3 =	sld [smem:$0x3FDB];
	s0 =	simm.s32 @p2 $0x1  }
0x17: {  	s4 =	simm.s32 $0x1BF5;
	[smem:$0x3FB9] =	sst s0  }
0x18: {  	s0 =	sld [smem:$0x3F9C];
	_ =	swait.ge [sflag:s4], $0x0  }
0x19: {  	s7 =	sld [smem:$0x3F9D]  }
0x1a: {  	s8 =	sadd.s32 $0xFFFFE003, lr  }
0x1b: {  	s9 =	sadd.s32 $0xFFFFFEF7, lr;
	s5 =	simm.s32 $0xFFFFFFFF;
	p2 =	slt.u32 s8, $0xFFFFF086  }
0x1c: {  	p1 =	slt.u32 s9, $0xF7A;
	s5 =	simm.s32 @!p2 $0x0  }
0x1d: {  	s5 =	simm.s32 @p1 $0x1;
	p0 =	seq.s32 s7, s2  }
0x1e: {  	s7 =	smul.u32 @!p0 $0xF7A, s2;
	p2 =	seq.s32 @!p0 s5, $0x0  }
0x1f: {  	s9 =	smul.u32 $0xF7A, s1;
	s8 =	simm.s32 @!p0 $0x1BF5;
	p2 =	por !p2, p0  }
0x20: {  	[sflag:s8] =	ssyncset.s32 @!p0 $0xFFFFF086;
	s6 =	sadd.s32 @!p0 s3, s7;
	s7 =	simm.s32 @!p0 $0x108  }
0x21: {  	s3 =	sadd.s32 s3, s9;
	s6 =	sadd.s32 @!p0 $0x88, s6;
	s7 =	simm.s32 @p2 $0x1082  }
0x22: {  	[simem:s7], [sflag:s8] =	dma.local @!p0 [hbm:s6], $0xF7A  }
0x23: {  	s9 =	sor.u32 $0xD0000000, s2;
	s6 =	simm.s32 $0x108;
	_ =	swait.ge @!p0 [sflag:s8], $0x0  }
0x24: {  	s3 =	sadd.s32 $0x88, s3;
	s6 =	simm.s32 @!p1 $0x1082;
	[sflag:s4] =	ssyncset.s32 $0xFFFFF086  }
0x25: {  	[simem:s6], [sflag:s4] =	dma.local [hbm:s3], $0xF7A  }
0x26: {  	[smem:$0x3F9D] =	sst s1;
	(tag) =	ssettag s2;
	_ =	strace s9  }
0x27: {  	s1 =	sld [smem:$0x3FAD]  }
0x28: {  	s2 =	sld [smem:$0x3FAE]  }
0x29: {  	s4 =	sld [smem:$0x3FB0]  }
0x2a: {  	p0 =	seq.s32 s5, $0x0;
	s5 =	sld [smem:$0x3FB1]  }
0x2b: {  	s6 =	sld [smem:$0x3FB2]  }
0x2c: {  	s7 =	sld [smem:$0x3FB3]  }
0x2d: {  	s3 =	simm.s32 $0x108;
	s8 =	sld [smem:$0x3FB4]  }
0x2e: {  	s3 =	simm.s32 @!p0 $0x1082;
	s9 =	sld [smem:$0x3FB5]  }
0x2f: {  	lr =	sadd.s32 s0, s3;
	s0 =	sld [smem:$0x3FAC]  }
0x30: {  	s3 =	sld [smem:$0x3FAF]  }
0x31: {  	[smem:$0x3FB8] =	sst s10  }
0x32: {  	s10 =	sld [smem:$0x3FB6];
	_ =	sdelay $0x3  }
0x33: {  	p0 =	seq.s32 s10, $0x1;
	s10 =	sld [smem:$0x3FB8];
	_ =	sdelay $0x3  }
0x34: {  	[smem:$0x3FB8] =	sst s10  }
0x35: {  	s10 =	sld [smem:$0x3FB7];
	_ =	sdelay $0x3  }
0x36: {  	p1 =	seq.s32 s10, $0x1;
	s10 =	sld [smem:$0x3FB8];
	_ =	sdelay $0x3  }
0x37: {  	[smem:$0x3FB8] =	sst s10  }
0x38: {  	s10 =	sld [smem:$0x3FB9]  }
0x39: {  	_ = 	snop;
	(pc) =	sbr.ind lr, $3  }
0x3a: {  	_ = 	snop  }
0x3b: {  	_ = 	snop  }
0x3c: {  	p2 =	seq.s32 s10, $0x1;
	s10 =	sld [smem:$0x3FB8]  }
0x3d: {  	_ =	shalt  }
0x3e: {  	_ =	shalt  }
0x3f: {  	_ =	shalt  }
0x40: {  	_ =	shalt  }
0x41: {  	_ =	shalt  }
0x42: {  	_ =	shalt  }
0x43: {  	_ =	shalt  }
0x44: {  	_ =	shalt  }
0x45: {  	_ =	shalt  }
0x46: {  	_ =	shalt  }
0x47: {  	_ =	shalt  }
0x48: {  	_ =	shalt  }
0x49: {  	_ =	shalt  }
0x4a: {  	_ =	shalt  }
0x4b: {  	_ =	shalt  }
0x4c: {  	_ =	shalt  }
0x4d: {  	_ =	shalt  }
0x4e: {  	_ =	shalt  }
0x4f: {  	_ =	shalt  }
0x50: {  	_ =	shalt  }
0x51: {  	_ =	shalt  }
0x52: {  	_ =	shalt  }
0x53: {  	_ =	shalt  }
0x54: {  	_ =	shalt  }
0x55: {  	_ =	shalt  }
0x56: {  	_ =	shalt  }
0x57: {  	_ =	shalt  }
0x58: {  	_ =	shalt  }
0x59: {  	_ =	shalt  }
0x5a: {  	_ =	shalt  }
0x5b: {  	_ =	shalt  }
0x5c: {  	_ =	shalt  }
0x5d: {  	_ =	shalt  }
0x5e: {  	_ =	shalt  }
0x5f: {  	_ =	shalt  }
0x60: {  	_ =	shalt  }
0x61: {  	_ =	shalt  }
0x62: {  	_ =	shalt  }
0x63: {  	_ =	shalt  }
0x64: {  	_ =	shalt  }
0x65: {  	_ =	shalt  }
0x66: {  	_ =	shalt  }
0x67: {  	_ =	shalt  }
0x68: {  	_ =	shalt  }
0x69: {  	_ =	shalt  }
0x6a: {  	_ =	shalt  }
0x6b: {  	_ =	shalt  }
0x6c: {  	_ =	shalt  }
0x6d: {  	_ =	shalt  }
0x6e: {  	_ =	shalt  }
0x6f: {  	_ =	shalt  }
0x70: {  	_ =	shalt  }
0x71: {  	_ =	shalt  }
0x72: {  	_ =	shalt  }
0x73: {  	_ =	shalt  }
0x74: {  	_ =	shalt  }
0x75: {  	_ =	shalt  }
0x76: {  	_ =	shalt  }
0x77: {  	_ =	shalt  }
0x78: {  	_ =	shalt  }
0x79: {  	_ =	shalt  }
0x7a: {  	_ =	shalt  }
0x7b: {  	_ =	shalt  }
0x7c: {  	_ =	shalt  }
0x7d: {  	_ =	shalt  }
0x7e: {  	_ =	shalt  }
0x7f: {  	_ =	shalt  }
0x80: {  	_ =	shalt  }
0x81: {  	_ =	shalt  }
0x82: {  	_ =	shalt  }
0x83: {  	_ =	shalt  }
0x84: {  	_ =	shalt  }
0x85: {  	_ =	shalt  }
0x86: {  	_ =	shalt  }
0x87: {  	_ =	shalt  }
.Lfunc_end0:
.L_simem_size_0:
called_computation.1_lowered:
.L_overlay_start_0:
0x88: {  	s2 =	sld [smem:$0x3FD9]  }
0x89: {  	s3 =	sld [smem:$0x3FFE];
	_ =	sdelay $0x1  }
0x8a: {  	s1 =	srdreg.scid  }
0x8b: {  	s0 =	sand.u32 $0x1, s1  }
0x8c: {  	s17 =	sshll.u32 s0, $0xA;
	s2 =	sadd.s32 s3, s2  }
0x8d: {  	s2 =	sadd.s32 s2, s17  }
0x8e: {  	[smem:$0x3FC4] =	sst s2  }
0x8f: {  	_ = 	snop  }
0x90: {  	(tm) =	ssettm $0x1  }
0x91: {  	s18 =	sld [smem:$0x3FFB];
	_ =	sdelay $0x3  }
0x92: {  	_ =	strace s18  }
0x93: {  	s2 =	sld [smem:$0x3FFC];
	_ =	sdelay $0x3  }
0x94: {  	_ =	strace s2  }
0x95: {  	s2 =	sld [smem:$0x3FFD];
	_ =	sdelay $0x3  }
0x96: {  	_ =	strace s2  }
0x97: {  	_ =	strace $0x8FFFFFFF  }
0x98: {  	s19 =	sld [smem:$0x3FDB];
	_ =	sdelay $0x1  }
0x99: {  	s20 =	simm.s32 $_scs_section_size  }
0x9a: {  	s4 =	simm.s32 $_size__tile_overlayer_lowered;
	s5 =	simm.s32 $_tile_overlayer_lowered  }
0x9b: {  	s6 =	simm.s32 $0x1BFF;
	s21 =	sshll.u32 s5, $0x1;
	s3 =	sadd.s32 s20, s19  }
0x9c: {  	s22 =	simm.s32 $0x0;
	s4 =	sshll.u32 s4, $0x1;
	s5 =	sadd.s32 s21, s3  }
0x9d: {  	[timem:s22], [sflag:s6] =	dma.local [hbm:s5], s4  }
0x9e: {  	_ =	swait.ge [sflag:s6], s4  }
0x9f: {  	s4 =	ssub.s32 $0x0, s4;
	[sflag:s6] =	ssyncset.done $0x0  }
0xa0: {  	[sflag:s6] =	ssyncadd.s32 s4;
	_ =	sdelay $0x1  }
0xa1: {  	s23 =	simm.s32 $0x1B8B  }
0xa2: {  	_ =	swait.ge [sflag:s23], $0x1  }
0xa3: {  	[sflag:s23] =	ssyncset.done $0x0  }
0xa4: {  	[sflag:s23] =	ssyncadd.s32 $0xFFFFFFFF  }
0xa5: {  	s4 =	sld [smem:$0x0]  }
0xa6: {  	s5 =	sand.u32 $0xFFFFFFFE, s1  }
0xa7: {  	p0 =	sne.s32 s1, s5  }
0xa8: {  	s5 =	sshll.u32 @p0 s5, $0xE  }
0xa9: {  	s5 =	sadd.s32 @p0 $0x11B8D, s5;
	s6 =	sshll.u32 @p0 s4, $0x11  }
0xaa: {  	s5 =	sor.u32 @p0 s6, s5  }
0xab: {  	[sflag:s5] =	ssyncadd.remote.s32 @p0 $0x1;
	_ =	sdelay $0x1  }
0xac: {  	s5 =	simm.s32 @p0 $0x1B8D  }
0xad: {  	_ =	swait.eq @p0 [sflag:s5], $0x1  }
0xae: {  	[sflag:s5] =	ssyncadd.s32 @p0 $0xFFFFFFFF  }
0xaf: {  	s6 =	sshll.u32 @!p0 s1, $0xE  }
0xb0: {  	s6 =	sor.u32 @!p0 $0x4000, s6;
	s5 =	simm.s32 @!p0 $0x1B8D  }
0xb1: {  	s4 =	sshll.u32 @!p0 s4, $0x11;
	s6 =	sadd.s32 @!p0 $0x11B8D, s6;
	_ =	swait.eq @!p0 [sflag:s5], $0x1  }
0xb2: {  	s4 =	sor.u32 @!p0 s4, s6;
	[sflag:s5] =	ssyncadd.s32 @!p0 $0xFFFFFFFF  }
0xb3: {  	s25 =	simm.s32 $0x1B8E;
	s24 =	sld [smem:$0x3FFE];
	[sflag:s4] =	ssyncadd.remote.s32 @!p0 $0x1  }
0xb4: {  	s26 =	simm.s32 $execute0_lowered;
	[smem:$0x3FD2] =	sst s25  }
0xb5: {  	s5 =	sshll.u32 s26, $0x1;
	_ =	strace $0x80000049;
	[dreg:$0x1] =	wrdreg $0xFFFFFFFF  }
0xb6: {  	s28 =	simm.s32 $_size_execute0_lowered;
	s3 =	sadd.s32 s3, s5;
	[dreg:$0x0] =	wrdreg $0x0  }
0xb7: {  	s5 =	sshll.u32 s28, $0x1;
	[dreg:$0x2] =	wrdreg s3  }
0xb8: {  	[dreg:$0x3] =	wrdreg s5  }
0xb9: {  	[dreg:$0x4] =	wrdreg $0xC0  }
0xba: {  	_ =	task [dreg:s22], $0x5FFFF  }
0xbb: {  	[dreg:$0x1] =	wrdreg $0xFFFFFFFF  }
0xbc: {  	[dreg:$0x0] =	wrdreg $0x60  }
0xbd: {  	[dreg:$0x2] =	wrdreg s24  }
0xbe: {  	[dreg:$0x3] =	wrdreg $0xA  }
0xbf: {  	_ =	task.clear_ibuf [dreg:s22], $0x4FFFF;
	_ =	strace $0x90000049  }
0xc0: {  	s29 =	simm.s32 $0xA;
	_ =	strace $0x8000004B  }
0xc1: {  	_ =	swait.ge [sflag:s29], $0x1  }
0xc2: {  	[sflag:s29] =	ssyncadd.s32 $0xFFFFFFFF  }
0xc3: {  	_ =	strace $0x9000004B  }
0xc4: {  	_ =	sfence  }
0xc5: {  	s30 =	sld [smem:$0x0];
	_ =	sdelay $0x2  }
0xc6: {  	s31 =	sshll.u32 s1, $0xD;
	s1 =	sshrl.u32 s1, $0x2  }
0xc7: {  	s4 =	sand.u32 $0x4000, s31;
	s1 =	sadd.s32 s1, s30  }
0xc8: {  	s0 =	sor.u32 s4, s0;
	s1 =	sshll.u32 s1, $0x11  }
0xc9: {  	s0 =	sor.u32 s1, s0  }
0xca: {  	s0 =	sadd.s32 $0x8F2B, s0  }
0xcb: {  	[sflag:s0] =	ssyncadd.remote.s32 $0x1  }
0xcc: {  	_ =	sfence.sel $0xFFFF  }
0xcd: {  	[dreg:$0x0] =	wrdreg $0xFFFFFFFF;
	(pc) =	sbr.abs _section_cstart, $3  }
0xce: {  	[dreg:$0x1] =	wrdreg $0xFFFFFFFF  }
0xcf: {  	_ =	task.clear_ibuf [dreg:s22], $0x2FFFF;
	_ =	strace $0x9FFFFFFF  }
0xd0: {  	(tm) =	ssettm $0x7FFFFFFF  }
0xd1: {  	_ =	shalt  }
tec
execute0_lowered:
.L_overlay_start_1:
0x0: {  	(tag) =	ssettag $0x1  }
0x1: {  	s4 =	rddreg [dreg:$0x0]  }
0x2: {  	s0 =	rddreg [dreg:$0x1];
	s1 =	stileid.u32  }
0x3: {  	s2 =	simm.s32 $0x0;
	s3 =	srdreg.scid;
	s5 =	smul.u32 $0xC80, s1  }
0x4: {  	[smem:$0x7FF] =	sst s2;
	s6 =	smul.u32 $0x64000, s1;
	s7 =	sand.u32 $0x1, s3  }
0x5: {  	s3 =	sadd.s32 $0x1200, s4;
	s8 =	ssub.s32 $0x2, s7;
	s9 =	smul.u32 $0x32000, s7  }
0x6: {  	_ =	strace $0x8000004A;
	s7 =	smul.u32 $0x640, s7;
	s10 =	sshrl.u32 s8, $0x1  }
0x7: {  	s5 =	sadd.s32 s5, s4;
	s6 =	sadd.s32 s6, s4;
	s31 =	ssub.s32 s8, s10  }
0x8: {  	s6 =	sadd.s32 s9, s6;
	s7 =	sadd.s32 s7, s5;
	s8 =	simm.s32 $0x200  }
0x9: {  	s9 =	simm.s32 $0x1;
	s10 =	simm.s32 $0x0;
	s4 =	smax.u32 s31, $0x1  }
0xa: {  	s5 =	sadd.s32 $0x158FE00, s6;
	s6 =	sadd.s32 $0x1583600, s7;
	s7 =	simm.s32 $0x2  }
.LBB2_1:
0xb: {  	s11 =	sadd.s32 $0x0, s6  }
0xc: {  	[tilespmem:s2], [sflag:$0x2] =	stream.linear.gather [hbm4b:s11+s2], $0x200, $0x38;
	[tilespmem:$0x10200] =	vst v63  }
0xd: {  	_ =	swait.ge [sflag:s7], $0x200  }
0xe: {  	[sflag:s7] =	ssyncset.done $0x0  }
0xf: {  	[sflag:s7] =	ssyncadd.s32 $0xFFFFFE00  }
0x10: {  	[tilespmem:s8], [sflag:$0x1] =	stream.indirect.gather [hbm4b:s3+s8], $0x80, s2, s8, $0xb8;
	[tilespmem:$0x10200] =	vst v63  }
0x11: {  	_ =	swait.ge [sflag:s9], $0x10000  }
0x12: {  	[sflag:s9] =	ssyncset.done $0x0  }
0x13: {  	[sflag:s9] =	ssyncadd.s32 $0xFFFF0000  }
0x14: {  	[hbm4b:s5+s2] =	stream.linear.scatter [tilespmem:s8], [sflag:$0x2], $0x10000, $0x38;
	[tilespmem:$0x10200] =	vst v63  }
0x15: {  	s12 =	simm.s32 $0x40;
	_ =	swait.ge [sflag:s7], $0x10000  }
0x16: {  	s13 =	simm.s32 $0x80;
	s11 =	sadd.s32 $0x2000, s5;
	[sflag:s7] =	ssyncset.done $0x0  }
.LBB2_2:
0x17: {  	s14 =	sadd.s32 s12, s6  }
0x18: {  	[sflag:s7] =	ssyncadd.s32 $0xFFFF0000;
	s12 =	smov.u32 s13;
	s15 =	sadd.s32 $0x40, s13  }
0x19: {  	[tilespmem:s2], [sflag:$0x2] =	stream.linear.gather [hbm4b:s14+s2], $0x200, $0x38;
	[tilespmem:$0x10200] =	vst v63  }
0x1a: {  	p0 =	sne.s32 s13, $0x600;
	_ =	swait.ge [sflag:s7], $0x200  }
0x1b: {  	[sflag:s7] =	ssyncset.done $0x0  }
0x1c: {  	[sflag:s7] =	ssyncadd.s32 $0xFFFFFE00  }
0x1d: {  	[tilespmem:s8], [sflag:$0x1] =	stream.indirect.gather [hbm4b:s3+s8], $0x80, s2, s8, $0xb8;
	[tilespmem:$0x10200] =	vst v63  }
0x1e: {  	_ =	swait.ge [sflag:s9], $0x10000  }
.Ltmp0:
0x1f: {  	[sflag:s9] =	ssyncset.done $0x0;
	(pc) =	sbr.rel @p0 .LBB2_2-.Ltmp0, $4  }
0x20: {  	[sflag:s9] =	ssyncadd.s32 $0xFFFF0000  }
0x21: {  	[hbm4b:s11+s2] =	stream.linear.scatter [tilespmem:s8], [sflag:$0x2], $0x10000, $0x38;
	[tilespmem:$0x10200] =	vst v63  }
0x22: {  	_ =	swait.ge [sflag:s7], $0x10000  }
0x23: {  	s13 =	smov.u32 s15;
	s11 =	sadd.s32 $0x2000, s11;
	[sflag:s7] =	ssyncset.done $0x0  }
0x24: {  	s12 =	sadd.s32 s12, s6;
	[sflag:s7] =	ssyncadd.s32 $0xFFFF0000  }
0x25: {  	[tilespmem:s2], [sflag:$0x2] =	stream.linear.gather [hbm4b:s12+s2], $0x200, $0x38;
	[tilespmem:$0x10200] =	vst v63  }
0x26: {  	_ =	swait.ge [sflag:s7], $0x200  }
0x27: {  	[sflag:s7] =	ssyncset.done $0x0  }
0x28: {  	[sflag:s7] =	ssyncadd.s32 $0xFFFFFE00  }
0x29: {  	[tilespmem:s8], [sflag:$0x1] =	stream.indirect.gather [hbm4b:s3+s8], $0x80, s2, s8, $0xb8;
	[tilespmem:$0x10200] =	vst v63  }
0x2a: {  	s10 =	sadd.s32 $0x1, s10;
	_ =	swait.ge [sflag:s9], $0x10000  }
0x2b: {  	p0 =	sne.s32 s10, s4;
	[sflag:s9] =	ssyncset.done $0x0  }
.Ltmp1:
0x2c: {  	[sflag:s9] =	ssyncadd.s32 $0xFFFF0000;
	(pc) =	sbr.rel @p0 .LBB2_1-.Ltmp1, $4  }
0x2d: {  	[hbm4b:s11+s2] =	stream.linear.scatter [tilespmem:s8], [sflag:$0x2], $0x10000, $0x38;
	[tilespmem:$0x10200] =	vst v63  }
0x2e: {  	_ =	swait.ge [sflag:s7], $0x10000  }
0x2f: {  	[sflag:s7] =	ssyncset.done $0x0  }
0x30: {  	[sflag:s7] =	ssyncadd.s32 $0xFFFF0000  }
0x31: {  	_ =	sfence.sel $0x180000  }
0x32: {  	[bflag:$0x0] =	sbarrier.arrive $0xFFFF  }
0x33: {  	p0 =	sne.s32 s1, $0x0;
	_ =	strace $0x9000004A  }
0x34: {  	s0 =	sadd.s32 @!p0 $0x100000, s0;
	[bflag:$0x2] =	sbarrier.arrive $0xFFFF  }
0x35: {  	[sflag:s0] =	ssyncadd.tile.s32 @!p0 $0x1;
	_ =	shalt  }
.Lfunc_end2:
_tile_overlayer_lowered:
.L_overlay_start_2:
0x36: {  	(tag) =	ssettag $0x2  }
0x37: {  	s0 =	rddreg [dreg:$0x0];
	s2 =	stileid.u32  }
0x38: {  	s1 =	rddreg [dreg:$0x1];
	p0 =	sne.s32 s2, $0x0  }
0x39: {  	s3 =	rddreg [dreg:$0x2];
	[bflag:$0x3] =	sbarrier.arrive $0xFFFF;
	s2 =	simm.s32 @!p0 $0x1C02  }
0x3a: {  	[timem:s3], [sflag:s2] =	dma.local @!p0 [hbm:s0], s1  }
0x3b: {  	s0 =	simm.s32 @!p0 $0x2  }
0x3c: {  	_ =	swait.ge @!p0 [sflag:s0], s1  }
0x3d: {  	s1 =	ssub.s32 @!p0 $0x0, s1;
	[sflag:s0] =	ssyncset.done @!p0 $0x0  }
0x3e: {  	[sflag:s0] =	ssyncadd.s32 @!p0 s1  }
0x3f: {  	[bflag:$0x3] =	sbarrier.arrive $0xFFFF  }
0x40: {  	_ =	shalt  }

// kernel: kernel.7.cloned.1.call-start
scs
__scs_entry_jumppad:
0x0: {  	(pc) =	sbr.rel $0x88, $3  }
0x1: {  	(tag) =	ssettag $0x0;
	lr =	simm.s32 $0x1  }
0x2: {  	[smem:$0x3F9D] =	sst lr;
	_ =	strace $0xD0000000  }
0x3: {  	_ = 	snop  }
0x4: {  	_ = 	snop  }
0x5: {  	_ = 	snop  }
0x6: {  	_ = 	snop  }
0x7: {  	_ = 	snop  }
__scs_overlays_trampoline_lowered:
0x8: {  	[smem:$0x3FAC] =	sst s0  }
0x9: {  	[smem:$0x3FAD] =	sst s1  }
0xa: {  	[smem:$0x3FAE] =	sst s2  }
0xb: {  	[smem:$0x3FAF] =	sst s3  }
0xc: {  	[smem:$0x3FB0] =	sst s4  }
0xd: {  	[smem:$0x3FB1] =	sst s5  }
0xe: {  	[smem:$0x3FB2] =	sst s6  }
0xf: {  	[smem:$0x3FB3] =	sst s7  }
0x10: {  	[smem:$0x3FB4] =	sst s8  }
0x11: {  	[smem:$0x3FB5] =	sst s9;
	s0 =	simm.s32 @!p0 $0x0  }
0x12: {  	s1 =	sld [smem:$0x3F9B];
	s0 =	simm.s32 @p0 $0x1  }
0x13: {  	[smem:$0x3FB6] =	sst s0;
	s0 =	simm.s32 @!p1 $0x0  }
0x14: {  	s2 =	sld [smem:$0x3F9A];
	s0 =	simm.s32 @p1 $0x1  }
0x15: {  	[smem:$0x3FB7] =	sst s0;
	s0 =	simm.s32 @!p2 $0x0  }
0x16: {  	s3 =	sld [smem:$0x3FDB];
	s0 =	simm.s32 @p2 $0x1  }
0x17: {  	s4 =	simm.s32 $0x1BF5;
	[smem:$0x3FB9] =	sst s0  }
0x18: {  	s0 =	sld [smem:$0x3F9C];
	_ =	swait.ge [sflag:s4], $0x0  }
0x19: {  	s7 =	sld [smem:$0x3F9D]  }
0x1a: {  	s8 =	sadd.s32 $0xFFFFE003, lr  }
0x1b: {  	s9 =	sadd.s32 $0xFFFFFEF7, lr;
	s5 =	simm.s32 $0xFFFFFFFF;
	p2 =	slt.u32 s8, $0xFFFFF086  }
0x1c: {  	p1 =	slt.u32 s9, $0xF7A;
	s5 =	simm.s32 @!p2 $0x0  }
0x1d: {  	s5 =	simm.s32 @p1 $0x1;
	p0 =	seq.s32 s7, s2  }
0x1e: {  	s7 =	smul.u32 @!p0 $0xF7A, s2;
	p2 =	seq.s32 @!p0 s5, $0x0  }
0x1f: {  	s9 =	smul.u32 $0xF7A, s1;
	s8 =	simm.s32 @!p0 $0x1BF5;
	p2 =	por !p2, p0  }
0x20: {  	[sflag:s8] =	ssyncset.s32 @!p0 $0xFFFFF086;
	s6 =	sadd.s32 @!p0 s3, s7;
	s7 =	simm.s32 @!p0 $0x108  }
0x21: {  	s3 =	sadd.s32 s3, s9;
	s6 =	sadd.s32 @!p0 $0x88, s6;
	s7 =	simm.s32 @p2 $0x1082  }
0x22: {  	[simem:s7], [sflag:s8] =	dma.local @!p0 [hbm:s6], $0xF7A  }
0x23: {  	s9 =	sor.u32 $0xD0000000, s2;
	s6 =	simm.s32 $0x108;
	_ =	swait.ge @!p0 [sflag:s8], $0x0  }
0x24: {  	s3 =	sadd.s32 $0x88, s3;
	s6 =	simm.s32 @!p1 $0x1082;
	[sflag:s4] =	ssyncset.s32 $0xFFFFF086  }
0x25: {  	[simem:s6], [sflag:s4] =	dma.local [hbm:s3], $0xF7A  }
0x26: {  	[smem:$0x3F9D] =	sst s1;
	(tag) =	ssettag s2;
	_ =	strace s9  }
0x27: {  	s1 =	sld [smem:$0x3FAD]  }
0x28: {  	s2 =	sld [smem:$0x3FAE]  }
0x29: {  	s4 =	sld [smem:$0x3FB0]  }
0x2a: {  	p0 =	seq.s32 s5, $0x0;
	s5 =	sld [smem:$0x3FB1]  }
0x2b: {  	s6 =	sld [smem:$0x3FB2]  }
0x2c: {  	s7 =	sld [smem:$0x3FB3]  }
0x2d: {  	s3 =	simm.s32 $0x108;
	s8 =	sld [smem:$0x3FB4]  }
0x2e: {  	s3 =	simm.s32 @!p0 $0x1082;
	s9 =	sld [smem:$0x3FB5]  }
0x2f: {  	lr =	sadd.s32 s0, s3;
	s0 =	sld [smem:$0x3FAC]  }
0x30: {  	s3 =	sld [smem:$0x3FAF]  }
0x31: {  	[smem:$0x3FB8] =	sst s10  }
0x32: {  	s10 =	sld [smem:$0x3FB6];
	_ =	sdelay $0x3  }
0x33: {  	p0 =	seq.s32 s10, $0x1;
	s10 =	sld [smem:$0x3FB8];
	_ =	sdelay $0x3  }
0x34: {  	[smem:$0x3FB8] =	sst s10  }
0x35: {  	s10 =	sld [smem:$0x3FB7];
	_ =	sdelay $0x3  }
0x36: {  	p1 =	seq.s32 s10, $0x1;
	s10 =	sld [smem:$0x3FB8];
	_ =	sdelay $0x3  }
0x37: {  	[smem:$0x3FB8] =	sst s10  }
0x38: {  	s10 =	sld [smem:$0x3FB9]  }
0x39: {  	_ = 	snop;
	(pc) =	sbr.ind lr, $3  }
0x3a: {  	_ = 	snop  }
0x3b: {  	_ = 	snop  }
0x3c: {  	p2 =	seq.s32 s10, $0x1;
	s10 =	sld [smem:$0x3FB8]  }
0x3d: {  	_ =	shalt  }
0x3e: {  	_ =	shalt  }
0x3f: {  	_ =	shalt  }
0x40: {  	_ =	shalt  }
0x41: {  	_ =	shalt  }
0x42: {  	_ =	shalt  }
0x43: {  	_ =	shalt  }
0x44: {  	_ =	shalt  }
0x45: {  	_ =	shalt  }
0x46: {  	_ =	shalt  }
0x47: {  	_ =	shalt  }
0x48: {  	_ =	shalt  }
0x49: {  	_ =	shalt  }
0x4a: {  	_ =	shalt  }
0x4b: {  	_ =	shalt  }
0x4c: {  	_ =	shalt  }
0x4d: {  	_ =	shalt  }
0x4e: {  	_ =	shalt  }
0x4f: {  	_ =	shalt  }
0x50: {  	_ =	shalt  }
0x51: {  	_ =	shalt  }
0x52: {  	_ =	shalt  }
0x53: {  	_ =	shalt  }
0x54: {  	_ =	shalt  }
0x55: {  	_ =	shalt  }
0x56: {  	_ =	shalt  }
0x57: {  	_ =	shalt  }
0x58: {  	_ =	shalt  }
0x59: {  	_ =	shalt  }
0x5a: {  	_ =	shalt  }
0x5b: {  	_ =	shalt  }
0x5c: {  	_ =	shalt  }
0x5d: {  	_ =	shalt  }
0x5e: {  	_ =	shalt  }
0x5f: {  	_ =	shalt  }
0x60: {  	_ =	shalt  }
0x61: {  	_ =	shalt  }
0x62: {  	_ =	shalt  }
0x63: {  	_ =	shalt  }
0x64: {  	_ =	shalt  }
0x65: {  	_ =	shalt  }
0x66: {  	_ =	shalt  }
0x67: {  	_ =	shalt  }
0x68: {  	_ =	shalt  }
0x69: {  	_ =	shalt  }
0x6a: {  	_ =	shalt  }
0x6b: {  	_ =	shalt  }
0x6c: {  	_ =	shalt  }
0x6d: {  	_ =	shalt  }
0x6e: {  	_ =	shalt  }
0x6f: {  	_ =	shalt  }
0x70: {  	_ =	shalt  }
0x71: {  	_ =	shalt  }
0x72: {  	_ =	shalt  }
0x73: {  	_ =	shalt  }
0x74: {  	_ =	shalt  }
0x75: {  	_ =	shalt  }
0x76: {  	_ =	shalt  }
0x77: {  	_ =	shalt  }
0x78: {  	_ =	shalt  }
0x79: {  	_ =	shalt  }
0x7a: {  	_ =	shalt  }
0x7b: {  	_ =	shalt  }
0x7c: {  	_ =	shalt  }
0x7d: {  	_ =	shalt  }
0x7e: {  	_ =	shalt  }
0x7f: {  	_ =	shalt  }
0x80: {  	_ =	shalt  }
0x81: {  	_ =	shalt  }
0x82: {  	_ =	shalt  }
0x83: {  	_ =	shalt  }
0x84: {  	_ =	shalt  }
0x85: {  	_ =	shalt  }
0x86: {  	_ =	shalt  }
0x87: {  	_ =	shalt  }
.Lfunc_end0:
.L_simem_size_0:
called_computation_lowered:
.L_overlay_start_0:
0x88: {  	s2 =	sld [smem:$0x3FD9]  }
0x89: {  	s3 =	sld [smem:$0x3FFE];
	_ =	sdelay $0x1  }
0x8a: {  	s1 =	srdreg.scid  }
0x8b: {  	s0 =	sand.u32 $0x1, s1  }
0x8c: {  	s17 =	sshll.u32 s0, $0xA;
	s2 =	sadd.s32 s3, s2  }
0x8d: {  	s2 =	sadd.s32 s2, s17  }
0x8e: {  	[smem:$0x3FC4] =	sst s2  }
0x8f: {  	_ = 	snop  }
0x90: {  	s2 =	sld [smem:$0x3FD0];
	(tm) =	ssettm $0x1  }
0x91: {  	s18 =	sld [smem:$0x3FFB];
	_ =	sdelay $0x3  }
0x92: {  	_ =	strace s18  }
0x93: {  	s3 =	sld [smem:$0x3FFC];
	_ =	sdelay $0x3  }
0x94: {  	_ =	strace s3  }
0x95: {  	s3 =	sld [smem:$0x3FFD];
	_ =	sdelay $0x3  }
0x96: {  	_ =	strace s3  }
0x97: {  	_ =	strace $0x8FFFFFFF  }
0x98: {  	s19 =	sld [smem:$0x3FDB];
	_ =	sdelay $0x1  }
0x99: {  	s4 =	simm.s32 $_scs_section_size  }
0x9a: {  	s5 =	simm.s32 $_size__tile_overlayer_lowered;
	s6 =	simm.s32 $_tile_overlayer_lowered  }
0x9b: {  	s22 =	simm.s32 $0x1BFF;
	s21 =	sshll.u32 s6, $0x1;
	s3 =	sadd.s32 s4, s19  }
0x9c: {  	s7 =	simm.s32 $0x0;
	s20 =	sshll.u32 s5, $0x1;
	s5 =	sadd.s32 s21, s3  }
0x9d: {  	[timem:s7], [sflag:s22] =	dma.local [hbm:s5], s20  }
0x9e: {  	_ =	swait.ge [sflag:s22], s20  }
0x9f: {  	s4 =	ssub.s32 $0x0, s20;
	[sflag:s22] =	ssyncset.done $0x0  }
0xa0: {  	[sflag:s22] =	ssyncadd.s32 s4;
	_ =	sdelay $0x1  }
0xa1: {  	s23 =	simm.s32 $0x1B8B  }
0xa2: {  	_ =	swait.ge [sflag:s23], $0x1  }
0xa3: {  	[sflag:s23] =	ssyncset.done $0x0  }
0xa4: {  	s25 =	simm.s32 $0x1B8E;
	s24 =	sld [smem:$0x3FFE];
	[sflag:s23] =	ssyncadd.s32 $0xFFFFFFFF  }
0xa5: {  	s26 =	simm.s32 $execute0_lowered;
	[smem:$0x3FD2] =	sst s25  }
0xa6: {  	s5 =	sshll.u32 s26, $0x1;
	_ =	strace $0x80000046;
	[dreg:$0x1] =	wrdreg $0xFFFFFFFF  }
0xa7: {  	s28 =	simm.s32 $_size_execute0_lowered;
	s3 =	sadd.s32 s3, s5;
	[dreg:$0x0] =	wrdreg $0x0  }
0xa8: {  	s5 =	sshll.u32 s28, $0x1;
	[dreg:$0x2] =	wrdreg s3  }
0xa9: {  	[dreg:$0x3] =	wrdreg s5  }
0xaa: {  	[dreg:$0x4] =	wrdreg $0xC0  }
0xab: {  	_ =	task [dreg:s7], $0x5FFFF  }
0xac: {  	[dreg:$0x1] =	wrdreg $0xFFFFFFFF  }
0xad: {  	[dreg:$0x0] =	wrdreg $0x60  }
0xae: {  	[dreg:$0x2] =	wrdreg s24  }
0xaf: {  	[dreg:$0x3] =	wrdreg s2  }
0xb0: {  	[dreg:$0x4] =	wrdreg $0x9  }
0xb1: {  	_ =	task.clear_ibuf [dreg:s7], $0x5FFFF;
	_ =	strace $0x90000046  }
0xb2: {  	s29 =	simm.s32 $0x9;
	_ =	strace $0x80000048  }
0xb3: {  	_ =	swait.ge [sflag:s29], $0x1  }
0xb4: {  	[sflag:s29] =	ssyncadd.s32 $0xFFFFFFFF  }
0xb5: {  	_ =	strace $0x90000048  }
0xb6: {  	_ =	sfence  }
0xb7: {  	s30 =	sld [smem:$0x0];
	_ =	sdelay $0x2  }
0xb8: {  	s31 =	sshll.u32 s1, $0xD;
	s1 =	sshrl.u32 s1, $0x2  }
0xb9: {  	s3 =	sand.u32 $0x4000, s31;
	s1 =	sadd.s32 s1, s30  }
0xba: {  	s0 =	sor.u32 s3, s0;
	s1 =	sshll.u32 s1, $0x11  }
0xbb: {  	s0 =	sor.u32 s1, s0  }
0xbc: {  	s0 =	sadd.s32 $0x8F2B, s0  }
0xbd: {  	[sflag:s0] =	ssyncadd.remote.s32 $0x1  }
0xbe: {  	_ =	sfence.sel $0xFFFF  }
0xbf: {  	[dreg:$0x0] =	wrdreg $0xFFFFFFFF;
	(pc) =	sbr.abs _section_cstart, $3  }
0xc0: {  	[dreg:$0x1] =	wrdreg $0xFFFFFFFF  }
0xc1: {  	_ =	task.clear_ibuf [dreg:s7], $0x2FFFF;
	_ =	strace $0x9FFFFFFF  }
0xc2: {  	(tm) =	ssettm $0x7FFFFFFF  }
0xc3: {  	_ =	shalt  }
tec
execute0_lowered:
.L_overlay_start_1:
0x0: {  	(tag) =	ssettag $0x1  }
0x1: {  	s3 =	rddreg [dreg:$0x0]  }
0x2: {  	s5 =	rddreg [dreg:$0x1];
	s1 =	stileid.u32  }
0x3: {  	s2 =	simm.s32 $0x0;
	s4 =	srdreg.scid;
	s6 =	smul.u32 $0x64000, s1  }
0x4: {  	[smem:$0x7FF] =	sst s2;
	s4 =	sand.u32 $0x1, s4;
	s10 =	smul.u32 $0xC80, s1  }
0x5: {  	s0 =	rddreg [dreg:$0x2];
	_ =	strace $0x80000047;
	s8 =	smul.u32 $0x32000, s4  }
0x6: {  	s7 =	ssub.s32 $0x2, s4;
	s30 =	smul.u32 $0x640, s4;
	s6 =	sadd.s32 s6, s3  }
0x7: {  	s9 =	sshrl.u32 s7, $0x1;
	s3 =	sadd.s32 $0x1200, s3;
	s31 =	sadd.s32 s10, s5  }
0x8: {  	s10 =	simm.s32 $0x0;
	s7 =	ssub.s32 s7, s9;
	s6 =	sadd.s32 s8, s6  }
0x9: {  	s8 =	simm.s32 $0x200;
	s9 =	simm.s32 $0x1;
	s4 =	smax.u32 s7, $0x1  }
0xa: {  	s5 =	sadd.s32 $0xF43600, s6;
	s6 =	sadd.s32 s30, s31;
	s7 =	simm.s32 $0x2  }
.LBB2_1:
0xb: {  	s11 =	sadd.s32 $0x0, s6  }
0xc: {  	[tilespmem:s2], [sflag:$0x2] =	stream.linear.gather [hbm4b:s11+s2], $0x200, $0x38;
	[tilespmem:$0x10200] =	vst v63  }
0xd: {  	_ =	swait.ge [sflag:s7], $0x200  }
0xe: {  	[sflag:s7] =	ssyncset.done $0x0  }
0xf: {  	[sflag:s7] =	ssyncadd.s32 $0xFFFFFE00  }
0x10: {  	[tilespmem:s8], [sflag:$0x1] =	stream.indirect.gather [hbm4b:s3+s8], $0x80, s2, s8, $0xb8;
	[tilespmem:$0x10200] =	vst v63  }
0x11: {  	_ =	swait.ge [sflag:s9], $0x10000  }
0x12: {  	[sflag:s9] =	ssyncset.done $0x0  }
0x13: {  	[sflag:s9] =	ssyncadd.s32 $0xFFFF0000  }
0x14: {  	[hbm4b:s5+s2] =	stream.linear.scatter [tilespmem:s8], [sflag:$0x2], $0x10000, $0x38;
	[tilespmem:$0x10200] =	vst v63  }
0x15: {  	s12 =	simm.s32 $0x40;
	_ =	swait.ge [sflag:s7], $0x10000  }
0x16: {  	s13 =	simm.s32 $0x80;
	s11 =	sadd.s32 $0x2000, s5;
	[sflag:s7] =	ssyncset.done $0x0  }
.LBB2_2:
0x17: {  	s14 =	sadd.s32 s12, s6  }
0x18: {  	[sflag:s7] =	ssyncadd.s32 $0xFFFF0000;
	s12 =	smov.u32 s13;
	s15 =	sadd.s32 $0x40, s13  }
0x19: {  	[tilespmem:s2], [sflag:$0x2] =	stream.linear.gather [hbm4b:s14+s2], $0x200, $0x38;
	[tilespmem:$0x10200] =	vst v63  }
0x1a: {  	p0 =	sne.s32 s13, $0x600;
	_ =	swait.ge [sflag:s7], $0x200  }
0x1b: {  	[sflag:s7] =	ssyncset.done $0x0  }
0x1c: {  	[sflag:s7] =	ssyncadd.s32 $0xFFFFFE00  }
0x1d: {  	[tilespmem:s8], [sflag:$0x1] =	stream.indirect.gather [hbm4b:s3+s8], $0x80, s2, s8, $0xb8;
	[tilespmem:$0x10200] =	vst v63  }
0x1e: {  	_ =	swait.ge [sflag:s9], $0x10000  }
.Ltmp0:
0x1f: {  	[sflag:s9] =	ssyncset.done $0x0;
	(pc) =	sbr.rel @p0 .LBB2_2-.Ltmp0, $4  }
0x20: {  	[sflag:s9] =	ssyncadd.s32 $0xFFFF0000  }
0x21: {  	[hbm4b:s11+s2] =	stream.linear.scatter [tilespmem:s8], [sflag:$0x2], $0x10000, $0x38;
	[tilespmem:$0x10200] =	vst v63  }
0x22: {  	_ =	swait.ge [sflag:s7], $0x10000  }
0x23: {  	s13 =	smov.u32 s15;
	s11 =	sadd.s32 $0x2000, s11;
	[sflag:s7] =	ssyncset.done $0x0  }
0x24: {  	s12 =	sadd.s32 s12, s6;
	[sflag:s7] =	ssyncadd.s32 $0xFFFF0000  }
0x25: {  	[tilespmem:s2], [sflag:$0x2] =	stream.linear.gather [hbm4b:s12+s2], $0x200, $0x38;
	[tilespmem:$0x10200] =	vst v63  }
0x26: {  	_ =	swait.ge [sflag:s7], $0x200  }
0x27: {  	[sflag:s7] =	ssyncset.done $0x0  }
0x28: {  	[sflag:s7] =	ssyncadd.s32 $0xFFFFFE00  }
0x29: {  	[tilespmem:s8], [sflag:$0x1] =	stream.indirect.gather [hbm4b:s3+s8], $0x80, s2, s8, $0xb8;
	[tilespmem:$0x10200] =	vst v63  }
0x2a: {  	s10 =	sadd.s32 $0x1, s10;
	_ =	swait.ge [sflag:s9], $0x10000  }
0x2b: {  	p0 =	sne.s32 s10, s4;
	[sflag:s9] =	ssyncset.done $0x0  }
.Ltmp1:
0x2c: {  	[sflag:s9] =	ssyncadd.s32 $0xFFFF0000;
	(pc) =	sbr.rel @p0 .LBB2_1-.Ltmp1, $4  }
0x2d: {  	[hbm4b:s11+s2] =	stream.linear.scatter [tilespmem:s8], [sflag:$0x2], $0x10000, $0x38;
	[tilespmem:$0x10200] =	vst v63  }
0x2e: {  	_ =	swait.ge [sflag:s7], $0x10000  }
0x2f: {  	[sflag:s7] =	ssyncset.done $0x0  }
0x30: {  	[sflag:s7] =	ssyncadd.s32 $0xFFFF0000  }
0x31: {  	_ =	sfence.sel $0x180000  }
0x32: {  	[bflag:$0x0] =	sbarrier.arrive $0xFFFF  }
0x33: {  	p0 =	sne.s32 s1, $0x0;
	_ =	strace $0x90000047  }
0x34: {  	s0 =	sadd.s32 @!p0 $0x100000, s0;
	[bflag:$0x2] =	sbarrier.arrive $0xFFFF  }
0x35: {  	[sflag:s0] =	ssyncadd.tile.s32 @!p0 $0x1;
	_ =	shalt  }
.Lfunc_end2:
_tile_overlayer_lowered:
.L_overlay_start_2:
0x36: {  	(tag) =	ssettag $0x2  }
0x37: {  	s0 =	rddreg [dreg:$0x0];
	s2 =	stileid.u32  }
0x38: {  	s1 =	rddreg [dreg:$0x1];
	p0 =	sne.s32 s2, $0x0  }
0x39: {  	s3 =	rddreg [dreg:$0x2];
	[bflag:$0x3] =	sbarrier.arrive $0xFFFF;
	s2 =	simm.s32 @!p0 $0x1C02  }
0x3a: {  	[timem:s3], [sflag:s2] =	dma.local @!p0 [hbm:s0], s1  }
0x3b: {  	s0 =	simm.s32 @!p0 $0x2  }
0x3c: {  	_ =	swait.ge @!p0 [sflag:s0], s1  }
0x3d: {  	s1 =	ssub.s32 @!p0 $0x0, s1;
	[sflag:s0] =	ssyncset.done @!p0 $0x0  }
0x3e: {  	[sflag:s0] =	ssyncadd.s32 @!p0 s1  }
0x3f: {  	[bflag:$0x3] =	sbarrier.arrive $0xFFFF  }
0x40: {  	_ =	shalt  }

</sc_bundles>
